<compile_context>
chip_gen: v7x
topology: tpu7x:2x2x1
jax: 0.10.2.dev20260603
libtpu: 0.0.44.dev20260713+nightly
codegen_flags: <defaults>
</compile_context>

<pallas_src>
import functools

import jax
import jax.numpy as jnp
from jax import lax
from jax.experimental import pallas as pl
from jax.experimental.pallas import tpu as pltpu
from jax.experimental.pallas import tpu_sc as plsc

_NS = 16
_L = 16


def _route_kernel(x_ref, wg_ref, j_ref, *, T, E, CAP):
    x = x_ref[...]
    logits = jnp.dot(x, wg_ref[...], preferred_element_type=jnp.float32)
    m = jnp.max(logits, axis=1, keepdims=True)
    iota_e = jax.lax.broadcasted_iota(jnp.int32, (T, E), 1)
    a = jnp.min(jnp.where(logits == m, iota_e, E), axis=1, keepdims=True)
    oh = (iota_e == a).astype(jnp.float32)
    c = oh
    s = 1
    while s < T:
        shifted = jnp.concatenate(
            [jnp.zeros((s, E), jnp.float32), c[: T - s]], axis=0)
        c = c + shifted
        s *= 2
    slot = (jnp.sum(c * oh, axis=1, keepdims=True) - 1.0).astype(jnp.int32)
    kept = slot < CAP
    iota_t = jax.lax.broadcasted_iota(jnp.int32, (T, 1), 0)
    j_ref[...] = jnp.where(kept, a * CAP + slot,
                           E * CAP + (iota_t >> 4))


def _dispatch_body(j_hbm, tab_hbm, jv, vals, initv, sem, *, T, TBL):
    wid = lax.axis_index("s")
    tpw = T // _NS
    ipw = TBL // _NS
    base = wid * tpw
    pltpu.sync_copy(j_hbm.at[pl.ds(base, tpw)], jv)
    for kk in range(ipw // _L):
        initv[pl.ds(kk * _L, _L)] = jnp.full((_L,), T, jnp.int32)
    pltpu.sync_copy(initv, tab_hbm.at[pl.ds(wid * ipw, ipw)])
    for kk in range(tpw // _L):
        vals[pl.ds(kk * _L, _L)] = (
            lax.broadcasted_iota(jnp.int32, (_L,), 0) + (base + kk * _L))
    plsc.subcore_barrier()
    pltpu.async_copy(vals, tab_hbm.at[jv], sem).wait()


def _sc_dispatch(j_flat, *, T, TBL):
    mesh = plsc.VectorSubcoreMesh(
        core_axis_name="c", subcore_axis_name="s", num_cores=1)
    return pl.kernel(
        functools.partial(_dispatch_body, T=T, TBL=TBL),
        out_type=jax.ShapeDtypeStruct((TBL,), jnp.int32),
        mesh=mesh,
        scratch_types=[
            pltpu.VMEM((T // _NS,), jnp.int32),
            pltpu.VMEM((T // _NS,), jnp.int32),
            pltpu.VMEM((TBL // _NS,), jnp.int32),
            pltpu.SemaphoreType.DMA,
        ],
    )(j_flat)


def _expert_kernel(idx_ref, x_ref, w1_ref, b1_ref, w2_ref, b2_ref, out_ref,
                   *, T):
    e = pl.program_id(0)
    idxv = idx_ref[0]
    iota_t = jax.lax.broadcasted_iota(jnp.int32, (T, idxv.shape[1]), 0)
    p = (iota_t == idxv).astype(jnp.float32)
    xs = jax.lax.dot_general(
        p, x_ref[...], (((0,), (0,)), ((), ())),
        preferred_element_type=jnp.float32)
    h = jnp.maximum(
        jnp.dot(xs, w1_ref[0], preferred_element_type=jnp.float32) + b1_ref[0],
        0.0)
    ys = jnp.dot(h, w2_ref[0], preferred_element_type=jnp.float32) + b2_ref[0]
    contrib = jnp.dot(p, ys, preferred_element_type=jnp.float32)

    @pl.when(e == 0)
    def _():
        out_ref[...] = contrib

    @pl.when(e > 0)
    def _():
        out_ref[...] += contrib


def kernel(x, Wg, W1, b1, W2, b2):
    T, D = x.shape
    E = Wg.shape[1]
    H = W1.shape[2]
    CAP = max(1, (2 * T) // E)
    TBL = E * CAP + 8 * _NS * 4

    j2d = pl.pallas_call(
        functools.partial(_route_kernel, T=T, E=E, CAP=CAP),
        out_shape=jax.ShapeDtypeStruct((T, 1), jnp.int32),
    )(x, Wg)
    tab = _sc_dispatch(j2d.reshape(T), T=T, TBL=TBL)
    idx3 = tab[:E * CAP].reshape(E, 1, CAP)
    b1r = b1.reshape(E, 1, H)
    b2r = b2.reshape(E, 1, D)

    return pl.pallas_call(
        functools.partial(_expert_kernel, T=T),
        grid=(E,),
        in_specs=[
            pl.BlockSpec((1, 1, CAP), lambda e: (e, 0, 0)),
            pl.BlockSpec((T, D), lambda e: (0, 0)),
            pl.BlockSpec((1, D, H), lambda e: (e, 0, 0)),
            pl.BlockSpec((1, 1, H), lambda e: (e, 0, 0)),
            pl.BlockSpec((1, H, D), lambda e: (e, 0, 0)),
            pl.BlockSpec((1, 1, D), lambda e: (e, 0, 0)),
        ],
        out_specs=pl.BlockSpec((T, D), lambda e: (0, 0)),
        out_shape=jax.ShapeDtypeStruct((T, D), jnp.float32),
    )(idx3, x, W1, b1r, W2, b2r)

# --- scband reference (transcript-rebuilt; emitter-appended) ---
"""Pipeline reference for scband-ouroboros-mo-elayer-62783831933695 (READ-ONLY COPY).

The authoritative reference and input builder live on the scoring server;
editing this copy changes nothing except your own understanding.
"""

import jax, jax.numpy as jnp
import numpy as np

INPUT_DIM = 768
HIDDEN_DIM = 768
N_EXPERTS = 64
TOP_K = 1
N_TOKENS = 2048
CAPACITY = max(1, (2 * N_TOKENS * TOP_K) // N_EXPERTS)


def setup_inputs(seed: int = 0) -> dict:
    key = jax.random.key(seed)
    ks = jax.random.split(key, 6)
    x = jax.random.normal(ks[0], (N_TOKENS, INPUT_DIM), dtype=jnp.float32)
    Wg = jax.random.normal(ks[1], (INPUT_DIM, N_EXPERTS), dtype=jnp.float32) * 0.02
    W1 = jax.random.normal(ks[2], (N_EXPERTS, INPUT_DIM, HIDDEN_DIM), dtype=jnp.float32) * 0.02
    b1 = jnp.zeros((N_EXPERTS, HIDDEN_DIM), dtype=jnp.float32)
    W2 = jax.random.normal(ks[3], (N_EXPERTS, HIDDEN_DIM, INPUT_DIM), dtype=jnp.float32) * 0.02
    b2 = jnp.zeros((N_EXPERTS, INPUT_DIM), dtype=jnp.float32)
    return {"x": x, "Wg": Wg, "W1": W1, "b1": b1, "W2": W2, "b2": b2}


def _moe_forward(x, Wg, W1, b1, W2, b2):
    T = x.shape[0]
    E = W1.shape[0]
    # Router: top-k gating with softmax over selected logits
    logits = x @ Wg  # [T, E]
    topv, topi = jax.lax.top_k(logits, TOP_K)  # [T, k]
    gates = jax.nn.softmax(topv, axis=-1)  # [T, k]
    # Dense per-expert gate matrix via scatter-add (SparseCore-style dispatch table)
    gate_dense = jnp.zeros((T, E), dtype=x.dtype).at[jnp.arange(T)[:, None], topi].add(gates)
    out = jnp.zeros_like(x)
    for e in range(E):
        g_e = gate_dense[:, e]  # [T]
        # Capacity-based token selection for this expert (gather)
        sel_g, sel_idx = jax.lax.top_k(g_e, CAPACITY)
        xe = jnp.take(x, sel_idx, axis=0)  # [C, d]
        h = jax.nn.relu(xe @ W1[e] + b1[e])
        ye = h @ W2[e] + b2[e]
        # Gate-weighted combine; tokens with zero gate contribute nothing (scatter-add)
        out = out.at[sel_idx].add(ye * sel_g[:, None])
    return out


def reference(x, Wg, W1, b1, W2, b2):
    # TopologicalConsciousness phi/gradient check: the undefined helper classes are assumed to
    # report gradient >= 0.005 (healthy expert topology), so no CategoryFunctor universe shift
    # is applied and the path is identity -> MoE -> identity.
    return _moe_forward(x, Wg, W1, b1, W2, b2)

if __name__ == "__main__":
    import jax
    _d = setup_inputs()
    print(jax.jit(kernel)(*tuple(_d.values())))

</pallas_src>

<mosaic_0001>
#map = affine_map<(d0, d1) -> (0)>
module attributes {stable_mosaic.version = 14 : i64} {
  func.func @_dispatch_body(%arg0: i32, %arg1: i32, %arg2: memref<2048xi32, #tpu.memory_space<hbm>>, %arg3: memref<4608xi32, #tpu.memory_space<hbm>>, %arg4: memref<128xi32, #tpu.memory_space<vmem>>, %arg5: memref<128xi32, #tpu.memory_space<vmem>>, %arg6: memref<288xi32, #tpu.memory_space<vmem>>, %arg7: memref<!tpu.dma_semaphore, #tpu.memory_space<semaphore_mem>>) attributes {dimension_semantics = [#tpu.dimension_semantics<core_parallel>, #tpu.dimension_semantics<subcore_parallel>], iteration_bounds = array<i64: 1, 16>, scalar_prefetch = 0 : i64, scratch_operands = 4 : i64, tpu.core_type = #tpu.core_type<sc_vector_subcore>, window_params = [{transform_indices = #map}, {transform_indices = #map}]} {
    %mul3A = arith.constant 128 : i32
    %mul3A_0 = arith.muli %arg1, %mul3A : i32
    "tpu.region"() ({
      %run_scoped3A = tpu.sem_alloc : memref<!tpu.dma_semaphore, #tpu.memory_space<semaphore_mem>>
      %dma_start3A_181 = tpu.memref_slice %arg2[%mul3A_0] : memref<2048xi32, #tpu.memory_space<hbm>> -> memref<128xi32, #tpu.memory_space<hbm>>
      %dma_start3A_182 = tpu.memref_slice %arg2[%mul3A_0] : memref<2048xi32, #tpu.memory_space<hbm>> -> memref<128xi32, #tpu.memory_space<hbm>>
      tpu.enqueue_dma source(%dma_start3A_182 : memref<128xi32, #tpu.memory_space<hbm>>) target(%arg4 : memref<128xi32, #tpu.memory_space<vmem>>) target_semaphore(%run_scoped3A : memref<!tpu.dma_semaphore, #tpu.memory_space<semaphore_mem>>)
      %dma_wait3A_183 = tpu.memref_slice %arg2[%mul3A_0] : memref<2048xi32, #tpu.memory_space<hbm>> -> memref<128xi32, #tpu.memory_space<hbm>>
      %dma_wait3A_184 = tpu.memref_slice %arg2[%mul3A_0] : memref<2048xi32, #tpu.memory_space<hbm>> -> memref<128xi32, #tpu.memory_space<hbm>>
      tpu.wait_dma2 semaphore(%run_scoped3A : memref<!tpu.dma_semaphore, #tpu.memory_space<semaphore_mem>>) src(%dma_wait3A_184 : memref<128xi32, #tpu.memory_space<hbm>>) dst(%arg4 : memref<128xi32, #tpu.memory_space<vmem>>)
      tpu.yield
    }) : () -> ()
    %broadcast_in_dim3A = arith.constant 2048 : i32
    %broadcast_in_dim3A_1 = vector.broadcast %broadcast_in_dim3A : i32 to vector<16xi32>
    %swap3A = arith.constant 0 : index
    %swap3A_2 = tpu.vector_load %arg6[%swap3A] {strides = array<i32>} : memref<288xi32, #tpu.memory_space<vmem>>, vector<16xi32>,
    %swap3A_3 = vector.shape_cast %swap3A_2 : vector<16xi32> to vector<16xi32>
    %swap3A_4 = vector.shape_cast %broadcast_in_dim3A_1 : vector<16xi32> to vector<16xi32>
    tpu.vector_store %arg6[%swap3A], %swap3A_4 {strides = array<i32>} : memref<288xi32, #tpu.memory_space<vmem>>, vector<16xi32>,
    %broadcast_in_dim3A_5 = arith.constant 2048 : i32
    %broadcast_in_dim3A_6 = vector.broadcast %broadcast_in_dim3A_5 : i32 to vector<16xi32>
    %swap3A_7 = arith.constant 16 : index
    %swap3A_8 = tpu.vector_load %arg6[%swap3A_7] {strides = array<i32>} : memref<288xi32, #tpu.memory_space<vmem>>, vector<16xi32>,
    %swap3A_9 = vector.shape_cast %swap3A_8 : vector<16xi32> to vector<16xi32>
    %swap3A_10 = vector.shape_cast %broadcast_in_dim3A_6 : vector<16xi32> to vector<16xi32>
    tpu.vector_store %arg6[%swap3A_7], %swap3A_10 {strides = array<i32>} : memref<288xi32, #tpu.memory_space<vmem>>, vector<16xi32>,
    %broadcast_in_dim3A_11 = arith.constant 2048 : i32
    %broadcast_in_dim3A_12 = vector.broadcast %broadcast_in_dim3A_11 : i32 to vector<16xi32>
    %swap3A_13 = arith.constant 32 : index
    %swap3A_14 = tpu.vector_load %arg6[%swap3A_13] {strides = array<i32>} : memref<288xi32, #tpu.memory_space<vmem>>, vector<16xi32>,
    %swap3A_15 = vector.shape_cast %swap3A_14 : vector<16xi32> to vector<16xi32>
    %swap3A_16 = vector.shape_cast %broadcast_in_dim3A_12 : vector<16xi32> to vector<16xi32>
    tpu.vector_store %arg6[%swap3A_13], %swap3A_16 {strides = array<i32>} : memref<288xi32, #tpu.memory_space<vmem>>, vector<16xi32>,
    %broadcast_in_dim3A_17 = arith.constant 2048 : i32
    %broadcast_in_dim3A_18 = vector.broadcast %broadcast_in_dim3A_17 : i32 to vector<16xi32>
    %swap3A_19 = arith.constant 48 : index
    %swap3A_20 = tpu.vector_load %arg6[%swap3A_19] {strides = array<i32>} : memref<288xi32, #tpu.memory_space<vmem>>, vector<16xi32>,
    %swap3A_21 = vector.shape_cast %swap3A_20 : vector<16xi32> to vector<16xi32>
    %swap3A_22 = vector.shape_cast %broadcast_in_dim3A_18 : vector<16xi32> to vector<16xi32>
    tpu.vector_store %arg6[%swap3A_19], %swap3A_22 {strides = array<i32>} : memref<288xi32, #tpu.memory_space<vmem>>, vector<16xi32>,
    %broadcast_in_dim3A_23 = arith.constant 2048 : i32
    %broadcast_in_dim3A_24 = vector.broadcast %broadcast_in_dim3A_23 : i32 to vector<16xi32>
    %swap3A_25 = arith.constant 64 : index
    %swap3A_26 = tpu.vector_load %arg6[%swap3A_25] {strides = array<i32>} : memref<288xi32, #tpu.memory_space<vmem>>, vector<16xi32>,
    %swap3A_27 = vector.shape_cast %swap3A_26 : vector<16xi32> to vector<16xi32>
    %swap3A_28 = vector.shape_cast %broadcast_in_dim3A_24 : vector<16xi32> to vector<16xi32>
    tpu.vector_store %arg6[%swap3A_25], %swap3A_28 {strides = array<i32>} : memref<288xi32, #tpu.memory_space<vmem>>, vector<16xi32>,
    %broadcast_in_dim3A_29 = arith.constant 2048 : i32
    %broadcast_in_dim3A_30 = vector.broadcast %broadcast_in_dim3A_29 : i32 to vector<16xi32>
    %swap3A_31 = arith.constant 80 : index
    %swap3A_32 = tpu.vector_load %arg6[%swap3A_31] {strides = array<i32>} : memref<288xi32, #tpu.memory_space<vmem>>, vector<16xi32>,
    %swap3A_33 = vector.shape_cast %swap3A_32 : vector<16xi32> to vector<16xi32>
    %swap3A_34 = vector.shape_cast %broadcast_in_dim3A_30 : vector<16xi32> to vector<16xi32>
    tpu.vector_store %arg6[%swap3A_31], %swap3A_34 {strides = array<i32>} : memref<288xi32, #tpu.memory_space<vmem>>, vector<16xi32>,
    %broadcast_in_dim3A_35 = arith.constant 2048 : i32
    %broadcast_in_dim3A_36 = vector.broadcast %broadcast_in_dim3A_35 : i32 to vector<16xi32>
    %swap3A_37 = arith.constant 96 : index
    %swap3A_38 = tpu.vector_load %arg6[%swap3A_37] {strides = array<i32>} : memref<288xi32, #tpu.memory_space<vmem>>, vector<16xi32>,
    %swap3A_39 = vector.shape_cast %swap3A_38 : vector<16xi32> to vector<16xi32>
    %swap3A_40 = vector.shape_cast %broadcast_in_dim3A_36 : vector<16xi32> to vector<16xi32>
    tpu.vector_store %arg6[%swap3A_37], %swap3A_40 {strides = array<i32>} : memref<288xi32, #tpu.memory_space<vmem>>, vector<16xi32>,
    %broadcast_in_dim3A_41 = arith.constant 2048 : i32
    %broadcast_in_dim3A_42 = vector.broadcast %broadcast_in_dim3A_41 : i32 to vector<16xi32>
    %swap3A_43 = arith.constant 112 : index
    %swap3A_44 = tpu.vector_load %arg6[%swap3A_43] {strides = array<i32>} : memref<288xi32, #tpu.memory_space<vmem>>, vector<16xi32>,
    %swap3A_45 = vector.shape_cast %swap3A_44 : vector<16xi32> to vector<16xi32>
    %swap3A_46 = vector.shape_cast %broadcast_in_dim3A_42 : vector<16xi32> to vector<16xi32>
    tpu.vector_store %arg6[%swap3A_43], %swap3A_46 {strides = array<i32>} : memref<288xi32, #tpu.memory_space<vmem>>, vector<16xi32>,
    %broadcast_in_dim3A_47 = arith.constant 2048 : i32
    %broadcast_in_dim3A_48 = vector.broadcast %broadcast_in_dim3A_47 : i32 to vector<16xi32>
    %swap3A_49 = arith.constant 128 : index
    %swap3A_50 = tpu.vector_load %arg6[%swap3A_49] {strides = array<i32>} : memref<288xi32, #tpu.memory_space<vmem>>, vector<16xi32>,
    %swap3A_51 = vector.shape_cast %swap3A_50 : vector<16xi32> to vector<16xi32>
    %swap3A_52 = vector.shape_cast %broadcast_in_dim3A_48 : vector<16xi32> to vector<16xi32>
    tpu.vector_store %arg6[%swap3A_49], %swap3A_52 {strides = array<i32>} : memref<288xi32, #tpu.memory_space<vmem>>, vector<16xi32>,
    %broadcast_in_dim3A_53 = arith.constant 2048 : i32
    %broadcast_in_dim3A_54 = vector.broadcast %broadcast_in_dim3A_53 : i32 to vector<16xi32>
    %swap3A_55 = arith.constant 144 : index
    %swap3A_56 = tpu.vector_load %arg6[%swap3A_55] {strides = array<i32>} : memref<288xi32, #tpu.memory_space<vmem>>, vector<16xi32>,
    %swap3A_57 = vector.shape_cast %swap3A_56 : vector<16xi32> to vector<16xi32>
    %swap3A_58 = vector.shape_cast %broadcast_in_dim3A_54 : vector<16xi32> to vector<16xi32>
    tpu.vector_store %arg6[%swap3A_55], %swap3A_58 {strides = array<i32>} : memref<288xi32, #tpu.memory_space<vmem>>, vector<16xi32>,
    %broadcast_in_dim3A_59 = arith.constant 2048 : i32
    %broadcast_in_dim3A_60 = vector.broadcast %broadcast_in_dim3A_59 : i32 to vector<16xi32>
    %swap3A_61 = arith.constant 160 : index
    %swap3A_62 = tpu.vector_load %arg6[%swap3A_61] {strides = array<i32>} : memref<288xi32, #tpu.memory_space<vmem>>, vector<16xi32>,
    %swap3A_63 = vector.shape_cast %swap3A_62 : vector<16xi32> to vector<16xi32>
    %swap3A_64 = vector.shape_cast %broadcast_in_dim3A_60 : vector<16xi32> to vector<16xi32>
    tpu.vector_store %arg6[%swap3A_61], %swap3A_64 {strides = array<i32>} : memref<288xi32, #tpu.memory_space<vmem>>, vector<16xi32>,
    %broadcast_in_dim3A_65 = arith.constant 2048 : i32
    %broadcast_in_dim3A_66 = vector.broadcast %broadcast_in_dim3A_65 : i32 to vector<16xi32>
    %swap3A_67 = arith.constant 176 : index
    %swap3A_68 = tpu.vector_load %arg6[%swap3A_67] {strides = array<i32>} : memref<288xi32, #tpu.memory_space<vmem>>, vector<16xi32>,
    %swap3A_69 = vector.shape_cast %swap3A_68 : vector<16xi32> to vector<16xi32>
    %swap3A_70 = vector.shape_cast %broadcast_in_dim3A_66 : vector<16xi32> to vector<16xi32>
    tpu.vector_store %arg6[%swap3A_67], %swap3A_70 {strides = array<i32>} : memref<288xi32, #tpu.memory_space<vmem>>, vector<16xi32>,
    %broadcast_in_dim3A_71 = arith.constant 2048 : i32
    %broadcast_in_dim3A_72 = vector.broadcast %broadcast_in_dim3A_71 : i32 to vector<16xi32>
    %swap3A_73 = arith.constant 192 : index
    %swap3A_74 = tpu.vector_load %arg6[%swap3A_73] {strides = array<i32>} : memref<288xi32, #tpu.memory_space<vmem>>, vector<16xi32>,
    %swap3A_75 = vector.shape_cast %swap3A_74 : vector<16xi32> to vector<16xi32>
    %swap3A_76 = vector.shape_cast %broadcast_in_dim3A_72 : vector<16xi32> to vector<16xi32>
    tpu.vector_store %arg6[%swap3A_73], %swap3A_76 {strides = array<i32>} : memref<288xi32, #tpu.memory_space<vmem>>, vector<16xi32>,
    %broadcast_in_dim3A_77 = arith.constant 2048 : i32
    %broadcast_in_dim3A_78 = vector.broadcast %broadcast_in_dim3A_77 : i32 to vector<16xi32>
    %swap3A_79 = arith.constant 208 : index
    %swap3A_80 = tpu.vector_load %arg6[%swap3A_79] {strides = array<i32>} : memref<288xi32, #tpu.memory_space<vmem>>, vector<16xi32>,
    %swap3A_81 = vector.shape_cast %swap3A_80 : vector<16xi32> to vector<16xi32>
    %swap3A_82 = vector.shape_cast %broadcast_in_dim3A_78 : vector<16xi32> to vector<16xi32>
    tpu.vector_store %arg6[%swap3A_79], %swap3A_82 {strides = array<i32>} : memref<288xi32, #tpu.memory_space<vmem>>, vector<16xi32>,
    %broadcast_in_dim3A_83 = arith.constant 2048 : i32
    %broadcast_in_dim3A_84 = vector.broadcast %broadcast_in_dim3A_83 : i32 to vector<16xi32>
    %swap3A_85 = arith.constant 224 : index
    %swap3A_86 = tpu.vector_load %arg6[%swap3A_85] {strides = array<i32>} : memref<288xi32, #tpu.memory_space<vmem>>, vector<16xi32>,
    %swap3A_87 = vector.shape_cast %swap3A_86 : vector<16xi32> to vector<16xi32>
    %swap3A_88 = vector.shape_cast %broadcast_in_dim3A_84 : vector<16xi32> to vector<16xi32>
    tpu.vector_store %arg6[%swap3A_85], %swap3A_88 {strides = array<i32>} : memref<288xi32, #tpu.memory_space<vmem>>, vector<16xi32>,
    %broadcast_in_dim3A_89 = arith.constant 2048 : i32
    %broadcast_in_dim3A_90 = vector.broadcast %broadcast_in_dim3A_89 : i32 to vector<16xi32>
    %swap3A_91 = arith.constant 240 : index
    %swap3A_92 = tpu.vector_load %arg6[%swap3A_91] {strides = array<i32>} : memref<288xi32, #tpu.memory_space<vmem>>, vector<16xi32>,
    %swap3A_93 = vector.shape_cast %swap3A_92 : vector<16xi32> to vector<16xi32>
    %swap3A_94 = vector.shape_cast %broadcast_in_dim3A_90 : vector<16xi32> to vector<16xi32>
    tpu.vector_store %arg6[%swap3A_91], %swap3A_94 {strides = array<i32>} : memref<288xi32, #tpu.memory_space<vmem>>, vector<16xi32>,
    %broadcast_in_dim3A_95 = arith.constant 2048 : i32
    %broadcast_in_dim3A_96 = vector.broadcast %broadcast_in_dim3A_95 : i32 to vector<16xi32>
    %swap3A_97 = arith.constant 256 : index
    %swap3A_98 = tpu.vector_load %arg6[%swap3A_97] {strides = array<i32>} : memref<288xi32, #tpu.memory_space<vmem>>, vector<16xi32>,
    %swap3A_99 = vector.shape_cast %swap3A_98 : vector<16xi32> to vector<16xi32>
    %swap3A_100 = vector.shape_cast %broadcast_in_dim3A_96 : vector<16xi32> to vector<16xi32>
    tpu.vector_store %arg6[%swap3A_97], %swap3A_100 {strides = array<i32>} : memref<288xi32, #tpu.memory_space<vmem>>, vector<16xi32>,
    %broadcast_in_dim3A_101 = arith.constant 2048 : i32
    %broadcast_in_dim3A_102 = vector.broadcast %broadcast_in_dim3A_101 : i32 to vector<16xi32>
    %swap3A_103 = arith.constant 272 : index
    %swap3A_104 = tpu.vector_load %arg6[%swap3A_103] {strides = array<i32>} : memref<288xi32, #tpu.memory_space<vmem>>, vector<16xi32>,
    %swap3A_105 = vector.shape_cast %swap3A_104 : vector<16xi32> to vector<16xi32>
    %swap3A_106 = vector.shape_cast %broadcast_in_dim3A_102 : vector<16xi32> to vector<16xi32>
    tpu.vector_store %arg6[%swap3A_103], %swap3A_106 {strides = array<i32>} : memref<288xi32, #tpu.memory_space<vmem>>, vector<16xi32>,
    %mul3A_107 = arith.constant 288 : i32
    %mul3A_108 = arith.muli %arg1, %mul3A_107 : i32
    "tpu.region"() ({
      %run_scoped3A = tpu.sem_alloc : memref<!tpu.dma_semaphore, #tpu.memory_space<semaphore_mem>>
      %dma_start3A_181 = tpu.memref_slice %arg3[%mul3A_108] : memref<4608xi32, #tpu.memory_space<hbm>> -> memref<288xi32, #tpu.memory_space<hbm>>
      %dma_start3A_182 = tpu.memref_slice %arg3[%mul3A_108] : memref<4608xi32, #tpu.memory_space<hbm>> -> memref<288xi32, #tpu.memory_space<hbm>>
      tpu.enqueue_dma source(%arg6 : memref<288xi32, #tpu.memory_space<vmem>>) target(%dma_start3A_182 : memref<288xi32, #tpu.memory_space<hbm>>) target_semaphore(%run_scoped3A : memref<!tpu.dma_semaphore, #tpu.memory_space<semaphore_mem>>)
      %dma_wait3A_183 = tpu.memref_slice %arg3[%mul3A_108] : memref<4608xi32, #tpu.memory_space<hbm>> -> memref<288xi32, #tpu.memory_space<hbm>>
      %dma_wait3A_184 = tpu.memref_slice %arg3[%mul3A_108] : memref<4608xi32, #tpu.memory_space<hbm>> -> memref<288xi32, #tpu.memory_space<hbm>>
      tpu.wait_dma2 semaphore(%run_scoped3A : memref<!tpu.dma_semaphore, #tpu.memory_space<semaphore_mem>>) src(%arg6 : memref<288xi32, #tpu.memory_space<vmem>>) dst(%dma_wait3A_184 : memref<288xi32, #tpu.memory_space<hbm>>)
      tpu.yield
    }) : () -> ()
    %iota3A = tpu.iota {dimensions = array<i32: 0>} : vector<16xi32>
    %add3A = arith.constant 0 : i32
    %add3A_109 = arith.addi %mul3A_0, %add3A : i32
    %add3A_110 = vector.broadcast %add3A_109 : i32 to vector<16xi32>
    %add3A_111 = arith.addi %iota3A, %add3A_110 : vector<16xi32>
    %swap3A_112 = arith.constant 0 : index
    %swap3A_113 = tpu.vector_load %arg5[%swap3A_112] {strides = array<i32>} : memref<128xi32, #tpu.memory_space<vmem>>, vector<16xi32>,
    %swap3A_114 = vector.shape_cast %swap3A_113 : vector<16xi32> to vector<16xi32>
    %swap3A_115 = vector.shape_cast %add3A_111 : vector<16xi32> to vector<16xi32>
    tpu.vector_store %arg5[%swap3A_112], %swap3A_115 {strides = array<i32>} : memref<128xi32, #tpu.memory_space<vmem>>, vector<16xi32>,
    %iota3A_116 = tpu.iota {dimensions = array<i32: 0>} : vector<16xi32>
    %add3A_117 = arith.constant 16 : i32
    %add3A_118 = arith.addi %mul3A_0, %add3A_117 : i32
    %add3A_119 = vector.broadcast %add3A_118 : i32 to vector<16xi32>
    %add3A_120 = arith.addi %iota3A_116, %add3A_119 : vector<16xi32>
    %swap3A_121 = arith.constant 16 : index
    %swap3A_122 = tpu.vector_load %arg5[%swap3A_121] {strides = array<i32>} : memref<128xi32, #tpu.memory_space<vmem>>, vector<16xi32>,
    %swap3A_123 = vector.shape_cast %swap3A_122 : vector<16xi32> to vector<16xi32>
    %swap3A_124 = vector.shape_cast %add3A_120 : vector<16xi32> to vector<16xi32>
    tpu.vector_store %arg5[%swap3A_121], %swap3A_124 {strides = array<i32>} : memref<128xi32, #tpu.memory_space<vmem>>, vector<16xi32>,
    %iota3A_125 = tpu.iota {dimensions = array<i32: 0>} : vector<16xi32>
    %add3A_126 = arith.constant 32 : i32
    %add3A_127 = arith.addi %mul3A_0, %add3A_126 : i32
    %add3A_128 = vector.broadcast %add3A_127 : i32 to vector<16xi32>
    %add3A_129 = arith.addi %iota3A_125, %add3A_128 : vector<16xi32>
    %swap3A_130 = arith.constant 32 : index
    %swap3A_131 = tpu.vector_load %arg5[%swap3A_130] {strides = array<i32>} : memref<128xi32, #tpu.memory_space<vmem>>, vector<16xi32>,
    %swap3A_132 = vector.shape_cast %swap3A_131 : vector<16xi32> to vector<16xi32>
    %swap3A_133 = vector.shape_cast %add3A_129 : vector<16xi32> to vector<16xi32>
    tpu.vector_store %arg5[%swap3A_130], %swap3A_133 {strides = array<i32>} : memref<128xi32, #tpu.memory_space<vmem>>, vector<16xi32>,
    %iota3A_134 = tpu.iota {dimensions = array<i32: 0>} : vector<16xi32>
    %add3A_135 = arith.constant 48 : i32
    %add3A_136 = arith.addi %mul3A_0, %add3A_135 : i32
    %add3A_137 = vector.broadcast %add3A_136 : i32 to vector<16xi32>
    %add3A_138 = arith.addi %iota3A_134, %add3A_137 : vector<16xi32>
    %swap3A_139 = arith.constant 48 : index
    %swap3A_140 = tpu.vector_load %arg5[%swap3A_139] {strides = array<i32>} : memref<128xi32, #tpu.memory_space<vmem>>, vector<16xi32>,
    %swap3A_141 = vector.shape_cast %swap3A_140 : vector<16xi32> to vector<16xi32>
    %swap3A_142 = vector.shape_cast %add3A_138 : vector<16xi32> to vector<16xi32>
    tpu.vector_store %arg5[%swap3A_139], %swap3A_142 {strides = array<i32>} : memref<128xi32, #tpu.memory_space<vmem>>, vector<16xi32>,
    %iota3A_143 = tpu.iota {dimensions = array<i32: 0>} : vector<16xi32>
    %add3A_144 = arith.constant 64 : i32
    %add3A_145 = arith.addi %mul3A_0, %add3A_144 : i32
    %add3A_146 = vector.broadcast %add3A_145 : i32 to vector<16xi32>
    %add3A_147 = arith.addi %iota3A_143, %add3A_146 : vector<16xi32>
    %swap3A_148 = arith.constant 64 : index
    %swap3A_149 = tpu.vector_load %arg5[%swap3A_148] {strides = array<i32>} : memref<128xi32, #tpu.memory_space<vmem>>, vector<16xi32>,
    %swap3A_150 = vector.shape_cast %swap3A_149 : vector<16xi32> to vector<16xi32>
    %swap3A_151 = vector.shape_cast %add3A_147 : vector<16xi32> to vector<16xi32>
    tpu.vector_store %arg5[%swap3A_148], %swap3A_151 {strides = array<i32>} : memref<128xi32, #tpu.memory_space<vmem>>, vector<16xi32>,
    %iota3A_152 = tpu.iota {dimensions = array<i32: 0>} : vector<16xi32>
    %add3A_153 = arith.constant 80 : i32
    %add3A_154 = arith.addi %mul3A_0, %add3A_153 : i32
    %add3A_155 = vector.broadcast %add3A_154 : i32 to vector<16xi32>
    %add3A_156 = arith.addi %iota3A_152, %add3A_155 : vector<16xi32>
    %swap3A_157 = arith.constant 80 : index
    %swap3A_158 = tpu.vector_load %arg5[%swap3A_157] {strides = array<i32>} : memref<128xi32, #tpu.memory_space<vmem>>, vector<16xi32>,
    %swap3A_159 = vector.shape_cast %swap3A_158 : vector<16xi32> to vector<16xi32>
    %swap3A_160 = vector.shape_cast %add3A_156 : vector<16xi32> to vector<16xi32>
    tpu.vector_store %arg5[%swap3A_157], %swap3A_160 {strides = array<i32>} : memref<128xi32, #tpu.memory_space<vmem>>, vector<16xi32>,
    %iota3A_161 = tpu.iota {dimensions = array<i32: 0>} : vector<16xi32>
    %add3A_162 = arith.constant 96 : i32
    %add3A_163 = arith.addi %mul3A_0, %add3A_162 : i32
    %add3A_164 = vector.broadcast %add3A_163 : i32 to vector<16xi32>
    %add3A_165 = arith.addi %iota3A_161, %add3A_164 : vector<16xi32>
    %swap3A_166 = arith.constant 96 : index
    %swap3A_167 = tpu.vector_load %arg5[%swap3A_166] {strides = array<i32>} : memref<128xi32, #tpu.memory_space<vmem>>, vector<16xi32>,
    %swap3A_168 = vector.shape_cast %swap3A_167 : vector<16xi32> to vector<16xi32>
    %swap3A_169 = vector.shape_cast %add3A_165 : vector<16xi32> to vector<16xi32>
    tpu.vector_store %arg5[%swap3A_166], %swap3A_169 {strides = array<i32>} : memref<128xi32, #tpu.memory_space<vmem>>, vector<16xi32>,
    %iota3A_170 = tpu.iota {dimensions = array<i32: 0>} : vector<16xi32>
    %add3A_171 = arith.constant 112 : i32
    %add3A_172 = arith.addi %mul3A_0, %add3A_171 : i32
    %add3A_173 = vector.broadcast %add3A_172 : i32 to vector<16xi32>
    %add3A_174 = arith.addi %iota3A_170, %add3A_173 : vector<16xi32>
    %swap3A_175 = arith.constant 112 : index
    %swap3A_176 = tpu.vector_load %arg5[%swap3A_175] {strides = array<i32>} : memref<128xi32, #tpu.memory_space<vmem>>, vector<16xi32>,
    %swap3A_177 = vector.shape_cast %swap3A_176 : vector<16xi32> to vector<16xi32>
    %swap3A_178 = vector.shape_cast %add3A_174 : vector<16xi32> to vector<16xi32>
    tpu.vector_store %arg5[%swap3A_175], %swap3A_178 {strides = array<i32>} : memref<128xi32, #tpu.memory_space<vmem>>, vector<16xi32>,
    %barrier3A = arith.constant 0 : index
    tpu.barrier barrier_id(%barrier3A)
    %dma_start3A = arith.constant 0 : i32
    %dma_start3A_179 = tpu.memref_slice %arg3[%dma_start3A] : memref<4608xi32, #tpu.memory_space<hbm>> -> memref<4608xi32, #tpu.memory_space<hbm>>
    tpu.enqueue_indirect_dma source(%arg5 : memref<128xi32, #tpu.memory_space<vmem>>) target(%dma_start3A_179 : memref<4608xi32, #tpu.memory_space<hbm>>) offsets(%arg4 : memref<128xi32, #tpu.memory_space<vmem>>) semaphore(%arg7 : memref<!tpu.dma_semaphore, #tpu.memory_space<semaphore_mem>>)
    %dma_wait3A = arith.constant 0 : i32
    %dma_wait3A_180 = tpu.memref_slice %arg3[%dma_wait3A] : memref<4608xi32, #tpu.memory_space<hbm>> -> memref<4608xi32, #tpu.memory_space<hbm>>
    tpu.wait_indirect_dma semaphore(%arg7 : memref<!tpu.dma_semaphore, #tpu.memory_space<semaphore_mem>>) src(%arg5 : memref<128xi32, #tpu.memory_space<vmem>>) dst(%dma_wait3A_180 : memref<4608xi32, #tpu.memory_space<hbm>>)
    return
  }
}

module attributes {stable_mosaic.version = 14 : i64} {
  func.func @_route_kernel(%arg0: memref<2048x768xf32, #tpu.memory_space<vmem>>, %arg1: memref<768x64xf32, #tpu.memory_space<vmem>>, %arg2: memref<2048x1xi32, #tpu.memory_space<vmem>>) attributes {dimension_semantics = [], scalar_prefetch = 0 : i64, scratch_operands = 0 : i64, tpu.core_type = #tpu.core_type<tc>} {
    %get3A = arith.constant 0 : index
    %get3A_0 = arith.constant 0 : index
    %get3A_1 = vector.load %arg0[%get3A, %get3A_0] : memref<2048x768xf32, #tpu.memory_space<vmem>>, vector<2048x768xf32>
    %get3A_2 = arith.constant 0 : index
    %get3A_3 = arith.constant 0 : index
    %get3A_4 = vector.load %arg1[%get3A_2, %get3A_3] : memref<768x64xf32, #tpu.memory_space<vmem>>, vector<768x64xf32>
    %dot_general3A = arith.constant dense<0.000000e+00> : vector<2048x64xf32>
    %dot_general3A_5 = tpu.matmul %get3A_1, %get3A_4, %dot_general3A {dimension_numbers = #tpu.dot_dimension_numbers<[1], [0], [0], [1], [0, 0, 1, 1], [], []>, transpose_lhs_hint = false} : vector<2048x768xf32>, vector<768x64xf32>, vector<2048x64xf32> -> vector<2048x64xf32>
    %reduce_max3A = arith.constant dense<0xFF800000> : vector<2048xf32>
    %reduce_max3A_6 = vector.multi_reduction <maximumf>, %dot_general3A_5, %reduce_max3A [1] : vector<2048x64xf32> to vector<2048xf32>
    %broadcast_in_dim3A = vector.shape_cast %reduce_max3A_6 : vector<2048xf32> to vector<2048x1xf32>
    %iota3A = tpu.iota {dimensions = array<i32: 1>} : vector<2048x64xi32>
    %eq3A = vector.broadcast %broadcast_in_dim3A : vector<2048x1xf32> to vector<2048x64xf32>
    %eq3A_7 = arith.cmpf oeq, %dot_general3A_5, %eq3A : vector<2048x64xf32>
    %jit3A = arith.constant 64 : i32
    %broadcast_in_dim3A_8 = vector.broadcast %jit3A : i32 to vector<2048x64xi32>
    %select_n3A = arith.select %eq3A_7, %iota3A, %broadcast_in_dim3A_8 : vector<2048x64xi1>, vector<2048x64xi32>
    %reduce_min3A = arith.constant dense<2147483647> : vector<2048xi32>
    %reduce_min3A_9 = vector.multi_reduction <minsi>, %select_n3A, %reduce_min3A [1] : vector<2048x64xi32> to vector<2048xi32>
    %broadcast_in_dim3A_10 = vector.shape_cast %reduce_min3A_9 : vector<2048xi32> to vector<2048x1xi32>
    %eq3A_11 = vector.broadcast %broadcast_in_dim3A_10 : vector<2048x1xi32> to vector<2048x64xi32>
    %eq3A_12 = arith.cmpi eq, %iota3A, %eq3A_11 : vector<2048x64xi32>
    %convert_element_type3A = arith.extui %eq3A_12 : vector<2048x64xi1> to vector<2048x64xi32>
    %convert_element_type3A_13 = arith.sitofp %convert_element_type3A : vector<2048x64xi32> to vector<2048x64xf32>
    %broadcast_in_dim3A_14 = arith.constant 0.000000e+00 : f32
    %broadcast_in_dim3A_15 = vector.broadcast %broadcast_in_dim3A_14 : f32 to vector<1x64xf32>
    %slice3A = vector.extract_strided_slice %convert_element_type3A_13 {offsets = [0, 0], sizes = [2047, 64], strides = [1, 1]} : vector<2048x64xf32> to vector<2047x64xf32>
    %concatenate3A = tpu.concatenate %broadcast_in_dim3A_15, %slice3A in 0 : vector<1x64xf32>, vector<2047x64xf32> -> vector<2048x64xf32>
    %add3A = arith.addf %convert_element_type3A_13, %concatenate3A : vector<2048x64xf32>
    %broadcast_in_dim3A_16 = arith.constant 0.000000e+00 : f32
    %broadcast_in_dim3A_17 = vector.broadcast %broadcast_in_dim3A_16 : f32 to vector<2x64xf32>
    %slice3A_18 = vector.extract_strided_slice %add3A {offsets = [0, 0], sizes = [2046, 64], strides = [1, 1]} : vector<2048x64xf32> to vector<2046x64xf32>
    %concatenate3A_19 = tpu.concatenate %broadcast_in_dim3A_17, %slice3A_18 in 0 : vector<2x64xf32>, vector<2046x64xf32> -> vector<2048x64xf32>
    %add3A_20 = arith.addf %add3A, %concatenate3A_19 : vector<2048x64xf32>
    %broadcast_in_dim3A_21 = arith.constant 0.000000e+00 : f32
    %broadcast_in_dim3A_22 = vector.broadcast %broadcast_in_dim3A_21 : f32 to vector<4x64xf32>
    %slice3A_23 = vector.extract_strided_slice %add3A_20 {offsets = [0, 0], sizes = [2044, 64], strides = [1, 1]} : vector<2048x64xf32> to vector<2044x64xf32>
    %concatenate3A_24 = tpu.concatenate %broadcast_in_dim3A_22, %slice3A_23 in 0 : vector<4x64xf32>, vector<2044x64xf32> -> vector<2048x64xf32>
    %add3A_25 = arith.addf %add3A_20, %concatenate3A_24 : vector<2048x64xf32>
    %broadcast_in_dim3A_26 = arith.constant 0.000000e+00 : f32
    %broadcast_in_dim3A_27 = vector.broadcast %broadcast_in_dim3A_26 : f32 to vector<8x64xf32>
    %slice3A_28 = vector.extract_strided_slice %add3A_25 {offsets = [0, 0], sizes = [2040, 64], strides = [1, 1]} : vector<2048x64xf32> to vector<2040x64xf32>
    %concatenate3A_29 = tpu.concatenate %broadcast_in_dim3A_27, %slice3A_28 in 0 : vector<8x64xf32>, vector<2040x64xf32> -> vector<2048x64xf32>
    %add3A_30 = arith.addf %add3A_25, %concatenate3A_29 : vector<2048x64xf32>
    %broadcast_in_dim3A_31 = arith.constant 0.000000e+00 : f32
    %broadcast_in_dim3A_32 = vector.broadcast %broadcast_in_dim3A_31 : f32 to vector<16x64xf32>
    %slice3A_33 = vector.extract_strided_slice %add3A_30 {offsets = [0, 0], sizes = [2032, 64], strides = [1, 1]} : vector<2048x64xf32> to vector<2032x64xf32>
    %concatenate3A_34 = tpu.concatenate %broadcast_in_dim3A_32, %slice3A_33 in 0 : vector<16x64xf32>, vector<2032x64xf32> -> vector<2048x64xf32>
    %add3A_35 = arith.addf %add3A_30, %concatenate3A_34 : vector<2048x64xf32>
    %broadcast_in_dim3A_36 = arith.constant 0.000000e+00 : f32
    %broadcast_in_dim3A_37 = vector.broadcast %broadcast_in_dim3A_36 : f32 to vector<32x64xf32>
    %slice3A_38 = vector.extract_strided_slice %add3A_35 {offsets = [0, 0], sizes = [2016, 64], strides = [1, 1]} : vector<2048x64xf32> to vector<2016x64xf32>
    %concatenate3A_39 = tpu.concatenate %broadcast_in_dim3A_37, %slice3A_38 in 0 : vector<32x64xf32>, vector<2016x64xf32> -> vector<2048x64xf32>
    %add3A_40 = arith.addf %add3A_35, %concatenate3A_39 : vector<2048x64xf32>
    %broadcast_in_dim3A_41 = arith.constant 0.000000e+00 : f32
    %broadcast_in_dim3A_42 = vector.broadcast %broadcast_in_dim3A_41 : f32 to vector<64x64xf32>
    %slice3A_43 = vector.extract_strided_slice %add3A_40 {offsets = [0, 0], sizes = [1984, 64], strides = [1, 1]} : vector<2048x64xf32> to vector<1984x64xf32>
    %concatenate3A_44 = tpu.concatenate %broadcast_in_dim3A_42, %slice3A_43 in 0 : vector<64x64xf32>, vector<1984x64xf32> -> vector<2048x64xf32>
    %add3A_45 = arith.addf %add3A_40, %concatenate3A_44 : vector<2048x64xf32>
    %broadcast_in_dim3A_46 = arith.constant 0.000000e+00 : f32
    %broadcast_in_dim3A_47 = vector.broadcast %broadcast_in_dim3A_46 : f32 to vector<128x64xf32>
    %slice3A_48 = vector.extract_strided_slice %add3A_45 {offsets = [0, 0], sizes = [1920, 64], strides = [1, 1]} : vector<2048x64xf32> to vector<1920x64xf32>
    %concatenate3A_49 = tpu.concatenate %broadcast_in_dim3A_47, %slice3A_48 in 0 : vector<128x64xf32>, vector<1920x64xf32> -> vector<2048x64xf32>
    %add3A_50 = arith.addf %add3A_45, %concatenate3A_49 : vector<2048x64xf32>
    %broadcast_in_dim3A_51 = arith.constant 0.000000e+00 : f32
    %broadcast_in_dim3A_52 = vector.broadcast %broadcast_in_dim3A_51 : f32 to vector<256x64xf32>
    %slice3A_53 = vector.extract_strided_slice %add3A_50 {offsets = [0, 0], sizes = [1792, 64], strides = [1, 1]} : vector<2048x64xf32> to vector<1792x64xf32>
    %concatenate3A_54 = tpu.concatenate %broadcast_in_dim3A_52, %slice3A_53 in 0 : vector<256x64xf32>, vector<1792x64xf32> -> vector<2048x64xf32>
    %add3A_55 = arith.addf %add3A_50, %concatenate3A_54 : vector<2048x64xf32>
    %broadcast_in_dim3A_56 = arith.constant 0.000000e+00 : f32
    %broadcast_in_dim3A_57 = vector.broadcast %broadcast_in_dim3A_56 : f32 to vector<512x64xf32>
    %slice3A_58 = vector.extract_strided_slice %add3A_55 {offsets = [0, 0], sizes = [1536, 64], strides = [1, 1]} : vector<2048x64xf32> to vector<1536x64xf32>
    %concatenate3A_59 = tpu.concatenate %broadcast_in_dim3A_57, %slice3A_58 in 0 : vector<512x64xf32>, vector<1536x64xf32> -> vector<2048x64xf32>
    %add3A_60 = arith.addf %add3A_55, %concatenate3A_59 : vector<2048x64xf32>
    %broadcast_in_dim3A_61 = arith.constant 0.000000e+00 : f32
    %broadcast_in_dim3A_62 = vector.broadcast %broadcast_in_dim3A_61 : f32 to vector<1024x64xf32>
    %slice3A_63 = vector.extract_strided_slice %add3A_60 {offsets = [0, 0], sizes = [1024, 64], strides = [1, 1]} : vector<2048x64xf32> to vector<1024x64xf32>
    %concatenate3A_64 = tpu.concatenate %broadcast_in_dim3A_62, %slice3A_63 in 0 : vector<1024x64xf32>, vector<1024x64xf32> -> vector<2048x64xf32>
    %add3A_65 = arith.addf %add3A_60, %concatenate3A_64 : vector<2048x64xf32>
    %mul3A = arith.mulf %add3A_65, %convert_element_type3A_13 : vector<2048x64xf32>
    %reduce_sum3A = arith.constant dense<0.000000e+00> : vector<2048xf32>
    %reduce_sum3A_66 = vector.multi_reduction <add>, %mul3A, %reduce_sum3A [1] : vector<2048x64xf32> to vector<2048xf32>
    %broadcast_in_dim3A_67 = vector.shape_cast %reduce_sum3A_66 : vector<2048xf32> to vector<2048x1xf32>
    %sub3A = arith.constant 1.000000e+00 : f32
    %sub3A_68 = vector.broadcast %sub3A : f32 to vector<2048x1xf32>
    %sub3A_69 = arith.subf %broadcast_in_dim3A_67, %sub3A_68 : vector<2048x1xf32>
    %convert_element_type3A_70 = arith.fptosi %sub3A_69 : vector<2048x1xf32> to vector<2048x1xi32>
    %lt3A = arith.constant 64 : i32
    %lt3A_71 = vector.broadcast %lt3A : i32 to vector<2048x1xi32>
    %lt3A_72 = arith.cmpi slt, %convert_element_type3A_70, %lt3A_71 : vector<2048x1xi32>
    %iota3A_73 = tpu.iota {dimensions = array<i32: 0>} : vector<2048x1xi32>
    %mul3A_74 = arith.constant 64 : i32
    %mul3A_75 = vector.broadcast %mul3A_74 : i32 to vector<2048x1xi32>
    %mul3A_76 = arith.muli %broadcast_in_dim3A_10, %mul3A_75 : vector<2048x1xi32>
    %add3A_77 = arith.addi %mul3A_76, %convert_element_type3A_70 : vector<2048x1xi32>
    %shift_right_arithmetic3A = arith.constant 4 : i32
    %shift_right_arithmetic3A_78 = vector.broadcast %shift_right_arithmetic3A : i32 to vector<2048x1xi32>
    %shift_right_arithmetic3A_79 = arith.shrsi %iota3A_73, %shift_right_arithmetic3A_78 : vector<2048x1xi32>
    %add3A_80 = arith.constant 4096 : i32
    %add3A_81 = vector.broadcast %add3A_80 : i32 to vector<2048x1xi32>
    %add3A_82 = arith.addi %add3A_81, %shift_right_arithmetic3A_79 : vector<2048x1xi32>
    %select_n3A_83 = arith.select %lt3A_72, %add3A_77, %add3A_82 : vector<2048x1xi1>, vector<2048x1xi32>
    %swap3A = arith.constant 0 : index
    %swap3A_84 = arith.constant 0 : index
    %swap3A_85 = vector.load %arg2[%swap3A, %swap3A_84] : memref<2048x1xi32, #tpu.memory_space<vmem>>, vector<2048x1xi32>
    tpu.vector_store %arg2[%swap3A, %swap3A_84], %select_n3A_83 {strides = array<i32>} : memref<2048x1xi32, #tpu.memory_space<vmem>>, vector<2048x1xi32>,
    return
  }
}

module attributes {stable_mosaic.version = 14 : i64} {
  func.func @_expert_kernel(%arg0: i32, %arg1: memref<1x1x64xi32, #tpu.memory_space<vmem>>, %arg2: memref<2048x768xf32, #tpu.memory_space<vmem>>, %arg3: memref<1x768x768xf32, #tpu.memory_space<vmem>>, %arg4: memref<1x1x768xf32, #tpu.memory_space<vmem>>, %arg5: memref<1x768x768xf32, #tpu.memory_space<vmem>>, %arg6: memref<1x1x768xf32, #tpu.memory_space<vmem>>, %arg7: memref<2048x768xf32, #tpu.memory_space<vmem>>) attributes {dimension_semantics = [#tpu.dimension_semantics<arbitrary>], iteration_bounds = array<i64: 64>, scalar_prefetch = 0 : i64, scratch_operands = 0 : i64, tpu.core_type = #tpu.core_type<tc>, window_params = [{transform_indices = @transform_0, window_bounds = array<i64: 1, 1, 64>}, {pipeline_mode = #tpu.pipeline_mode<synchronous>, transform_indices = @transform_1, window_bounds = array<i64: 2048, 768>}, {transform_indices = @transform_2, window_bounds = array<i64: 1, 768, 768>}, {transform_indices = @transform_3, window_bounds = array<i64: 1, 1, 768>}, {transform_indices = @transform_4, window_bounds = array<i64: 1, 768, 768>}, {transform_indices = @transform_5, window_bounds = array<i64: 1, 1, 768>}, {pipeline_mode = #tpu.pipeline_mode<synchronous>, transform_indices = @transform_6, window_bounds = array<i64: 2048, 768>}]} {
    %get3A = arith.constant 0 : index
    %get3A_0 = arith.constant 0 : index
    %get3A_1 = arith.constant 0 : index
    %get3A_2 = vector.load %arg1[%get3A, %get3A_0, %get3A_1] : memref<1x1x64xi32, #tpu.memory_space<vmem>>, vector<1x1x64xi32>
    %get3A_3 = vector.shape_cast %get3A_2 : vector<1x1x64xi32> to vector<1x64xi32>
    %iota3A = tpu.iota {dimensions = array<i32: 0>} : vector<2048x64xi32>
    %eq3A = vector.broadcast %get3A_3 : vector<1x64xi32> to vector<2048x64xi32>
    %eq3A_4 = arith.cmpi eq, %iota3A, %eq3A : vector<2048x64xi32>
    %convert_element_type3A = arith.extui %eq3A_4 : vector<2048x64xi1> to vector<2048x64xi32>
    %convert_element_type3A_5 = arith.sitofp %convert_element_type3A : vector<2048x64xi32> to vector<2048x64xf32>
    %get3A_6 = arith.constant 0 : index
    %get3A_7 = arith.constant 0 : index
    %get3A_8 = vector.load %arg2[%get3A_6, %get3A_7] : memref<2048x768xf32, #tpu.memory_space<vmem>>, vector<2048x768xf32>
    %dot_general3A = arith.constant dense<0.000000e+00> : vector<64x768xf32>
    %dot_general3A_9 = tpu.matmul %convert_element_type3A_5, %get3A_8, %dot_general3A {dimension_numbers = #tpu.dot_dimension_numbers<[0], [0], [1], [1], [0, 1, 1, 1], [], []>, transpose_lhs_hint = false} : vector<2048x64xf32>, vector<2048x768xf32>, vector<64x768xf32> -> vector<64x768xf32>
    %get3A_10 = arith.constant 0 : index
    %get3A_11 = arith.constant 0 : index
    %get3A_12 = arith.constant 0 : index
    %get3A_13 = vector.load %arg3[%get3A_10, %get3A_11, %get3A_12] : memref<1x768x768xf32, #tpu.memory_space<vmem>>, vector<1x768x768xf32>
    %get3A_14 = vector.shape_cast %get3A_13 : vector<1x768x768xf32> to vector<768x768xf32>
    %dot_general3A_15 = arith.constant dense<0.000000e+00> : vector<64x768xf32>
    %dot_general3A_16 = tpu.matmul %dot_general3A_9, %get3A_14, %dot_general3A_15 {dimension_numbers = #tpu.dot_dimension_numbers<[1], [0], [0], [1], [0, 0, 1, 1], [], []>, transpose_lhs_hint = false} : vector<64x768xf32>, vector<768x768xf32>, vector<64x768xf32> -> vector<64x768xf32>
    %get3A_17 = arith.constant 0 : index
    %get3A_18 = arith.constant 0 : index
    %get3A_19 = arith.constant 0 : index
    %get3A_20 = vector.load %arg4[%get3A_17, %get3A_18, %get3A_19] : memref<1x1x768xf32, #tpu.memory_space<vmem>>, vector<1x1x768xf32>
    %get3A_21 = vector.shape_cast %get3A_20 : vector<1x1x768xf32> to vector<1x768xf32>
    %add3A = vector.broadcast %get3A_21 : vector<1x768xf32> to vector<64x768xf32>
    %add3A_22 = arith.addf %dot_general3A_16, %add3A : vector<64x768xf32>
    %max3A = arith.constant 0.000000e+00 : f32
    %max3A_23 = vector.broadcast %max3A : f32 to vector<64x768xf32>
    %max3A_24 = arith.maximumf %add3A_22, %max3A_23 : vector<64x768xf32>
    %get3A_25 = arith.constant 0 : index
    %get3A_26 = arith.constant 0 : index
    %get3A_27 = arith.constant 0 : index
    %get3A_28 = vector.load %arg5[%get3A_25, %get3A_26, %get3A_27] : memref<1x768x768xf32, #tpu.memory_space<vmem>>, vector<1x768x768xf32>
    %get3A_29 = vector.shape_cast %get3A_28 : vector<1x768x768xf32> to vector<768x768xf32>
    %dot_general3A_30 = arith.constant dense<0.000000e+00> : vector<64x768xf32>
    %dot_general3A_31 = tpu.matmul %max3A_24, %get3A_29, %dot_general3A_30 {dimension_numbers = #tpu.dot_dimension_numbers<[1], [0], [0], [1], [0, 0, 1, 1], [], []>, transpose_lhs_hint = false} : vector<64x768xf32>, vector<768x768xf32>, vector<64x768xf32> -> vector<64x768xf32>
    %get3A_32 = arith.constant 0 : index
    %get3A_33 = arith.constant 0 : index
    %get3A_34 = arith.constant 0 : index
    %get3A_35 = vector.load %arg6[%get3A_32, %get3A_33, %get3A_34] : memref<1x1x768xf32, #tpu.memory_space<vmem>>, vector<1x1x768xf32>
    %get3A_36 = vector.shape_cast %get3A_35 : vector<1x1x768xf32> to vector<1x768xf32>
    %add3A_37 = vector.broadcast %get3A_36 : vector<1x768xf32> to vector<64x768xf32>
    %add3A_38 = arith.addf %dot_general3A_31, %add3A_37 : vector<64x768xf32>
    %dot_general3A_39 = arith.constant dense<0.000000e+00> : vector<2048x768xf32>
    %dot_general3A_40 = tpu.matmul %convert_element_type3A_5, %add3A_38, %dot_general3A_39 {dimension_numbers = #tpu.dot_dimension_numbers<[1], [0], [0], [1], [0, 0, 1, 1], [], []>, transpose_lhs_hint = false} : vector<2048x64xf32>, vector<64x768xf32>, vector<2048x768xf32> -> vector<2048x768xf32>
    %eq3A_41 = arith.constant 0 : i32
    %eq3A_42 = arith.cmpi eq, %arg0, %eq3A_41 : i32
    %convert_element_type3A_43 = arith.extui %eq3A_42 : i1 to i32
    %cond3A = arith.constant 0 : i32
    %cond3A_44 = arith.cmpi ne, %convert_element_type3A_43, %cond3A : i32
    scf.if %cond3A_44 {
      %swap3A = arith.constant 0 : index
      %swap3A_49 = arith.constant 0 : index
      %swap3A_50 = vector.load %arg7[%swap3A, %swap3A_49] : memref<2048x768xf32, #tpu.memory_space<vmem>>, vector<2048x768xf32>
      tpu.vector_store %arg7[%swap3A, %swap3A_49], %dot_general3A_40 {strides = array<i32>} : memref<2048x768xf32, #tpu.memory_space<vmem>>, vector<2048x768xf32>,
    } else {
    }
    %gt3A = arith.constant 0 : i32
    %gt3A_45 = arith.cmpi sgt, %arg0, %gt3A : i32
    %convert_element_type3A_46 = arith.extui %gt3A_45 : i1 to i32
    %cond3A_47 = arith.constant 0 : i32
    %cond3A_48 = arith.cmpi ne, %convert_element_type3A_46, %cond3A_47 : i32
    scf.if %cond3A_48 {
      %get3A_49 = arith.constant 0 : index
      %get3A_50 = arith.constant 0 : index
      %get3A_51 = vector.load %arg7[%get3A_49, %get3A_50] : memref<2048x768xf32, #tpu.memory_space<vmem>>, vector<2048x768xf32>
      %add3A_52 = arith.addf %get3A_51, %dot_general3A_40 : vector<2048x768xf32>
      %swap3A = arith.constant 0 : index
      %swap3A_53 = arith.constant 0 : index
      %swap3A_54 = vector.load %arg7[%swap3A, %swap3A_53] : memref<2048x768xf32, #tpu.memory_space<vmem>>, vector<2048x768xf32>
      tpu.vector_store %arg7[%swap3A, %swap3A_53], %add3A_52 {strides = array<i32>} : memref<2048x768xf32, #tpu.memory_space<vmem>>, vector<2048x768xf32>,
    } else {
    }
    return
  }
  func.func @transform_0(%arg0: i32) -> (i32, i32, i32) {
    %c0_i32 = arith.constant 0 : i32
    %c0_i32_0 = arith.constant 0 : i32
    %c0_i32_1 = arith.constant 0 : i32
    return %arg0, %c0_i32, %c0_i32_0 : i32, i32, i32
  }
  func.func @transform_1(%arg0: i32) -> (i32, i32) {
    %c0_i32 = arith.constant 0 : i32
    %c0_i32_0 = arith.constant 0 : i32
    %c0_i32_1 = arith.constant 0 : i32
    return %c0_i32, %c0_i32_0 : i32, i32
  }
  func.func @transform_2(%arg0: i32) -> (i32, i32, i32) {
    %c0_i32 = arith.constant 0 : i32
    %c0_i32_0 = arith.constant 0 : i32
    %c0_i32_1 = arith.constant 0 : i32
    return %arg0, %c0_i32, %c0_i32_0 : i32, i32, i32
  }
  func.func @transform_3(%arg0: i32) -> (i32, i32, i32) {
    %c0_i32 = arith.constant 0 : i32
    %c0_i32_0 = arith.constant 0 : i32
    %c0_i32_1 = arith.constant 0 : i32
    return %arg0, %c0_i32, %c0_i32_0 : i32, i32, i32
  }
  func.func @transform_4(%arg0: i32) -> (i32, i32, i32) {
    %c0_i32 = arith.constant 0 : i32
    %c0_i32_0 = arith.constant 0 : i32
    %c0_i32_1 = arith.constant 0 : i32
    return %arg0, %c0_i32, %c0_i32_0 : i32, i32, i32
  }
  func.func @transform_5(%arg0: i32) -> (i32, i32, i32) {
    %c0_i32 = arith.constant 0 : i32
    %c0_i32_0 = arith.constant 0 : i32
    %c0_i32_1 = arith.constant 0 : i32
    return %arg0, %c0_i32, %c0_i32_0 : i32, i32, i32
  }
  func.func @transform_6(%arg0: i32) -> (i32, i32) {
    %c0_i32 = arith.constant 0 : i32
    %c0_i32_0 = arith.constant 0 : i32
    %c0_i32_1 = arith.constant 0 : i32
    return %c0_i32, %c0_i32_0 : i32, i32
  }
}

</mosaic_0001>

<sc_bundles>
// kernel: kernel.5.cloned.1.call-start
scs
__scs_entry_jumppad:
0x0: {  	(pc) =	sbr.rel $0x88, $3  }
0x1: {  	(tag) =	ssettag $0x0;
	lr =	simm.s32 $0x1  }
0x2: {  	[smem:$0x3F9B] =	sst lr;
	_ =	strace $0xD0000000  }
0x3: {  	_ = 	snop  }
0x4: {  	_ = 	snop  }
0x5: {  	_ = 	snop  }
0x6: {  	_ = 	snop  }
0x7: {  	_ = 	snop  }
__scs_overlays_trampoline_lowered:
0x8: {  	[smem:$0x3FAA] =	sst s0  }
0x9: {  	[smem:$0x3FAB] =	sst s1  }
0xa: {  	[smem:$0x3FAC] =	sst s2  }
0xb: {  	[smem:$0x3FAD] =	sst s3  }
0xc: {  	[smem:$0x3FAE] =	sst s4  }
0xd: {  	[smem:$0x3FAF] =	sst s5  }
0xe: {  	[smem:$0x3FB0] =	sst s6  }
0xf: {  	[smem:$0x3FB1] =	sst s7  }
0x10: {  	[smem:$0x3FB2] =	sst s8  }
0x11: {  	[smem:$0x3FB3] =	sst s9;
	s0 =	simm.s32 @!p0 $0x0  }
0x12: {  	s1 =	sld [smem:$0x3F99];
	s0 =	simm.s32 @p0 $0x1  }
0x13: {  	[smem:$0x3FB4] =	sst s0;
	s0 =	simm.s32 @!p1 $0x0  }
0x14: {  	s2 =	sld [smem:$0x3F98];
	s0 =	simm.s32 @p1 $0x1  }
0x15: {  	[smem:$0x3FB5] =	sst s0;
	s0 =	simm.s32 @!p2 $0x0  }
0x16: {  	s3 =	sld [smem:$0x3FDB];
	s0 =	simm.s32 @p2 $0x1  }
0x17: {  	s4 =	simm.s32 $0x1BF5;
	[smem:$0x3FB7] =	sst s0  }
0x18: {  	s0 =	sld [smem:$0x3F9A];
	_ =	swait.ge [sflag:s4], $0x0  }
0x19: {  	s7 =	sld [smem:$0x3F9B]  }
0x1a: {  	s8 =	sadd.s32 $0xFFFFE003, lr  }
0x1b: {  	s9 =	sadd.s32 $0xFFFFFEF7, lr;
	s5 =	simm.s32 $0xFFFFFFFF;
	p2 =	slt.u32 s8, $0xFFFFF086  }
0x1c: {  	p1 =	slt.u32 s9, $0xF7A;
	s5 =	simm.s32 @!p2 $0x0  }
0x1d: {  	s5 =	simm.s32 @p1 $0x1;
	p0 =	seq.s32 s7, s2  }
0x1e: {  	s7 =	smul.u32 @!p0 $0xF7A, s2;
	p2 =	seq.s32 @!p0 s5, $0x0  }
0x1f: {  	s9 =	smul.u32 $0xF7A, s1;
	s8 =	simm.s32 @!p0 $0x1BF5;
	p2 =	por !p2, p0  }
0x20: {  	[sflag:s8] =	ssyncset.s32 @!p0 $0xFFFFF086;
	s6 =	sadd.s32 @!p0 s3, s7;
	s7 =	simm.s32 @!p0 $0x108  }
0x21: {  	s3 =	sadd.s32 s3, s9;
	s6 =	sadd.s32 @!p0 $0x88, s6;
	s7 =	simm.s32 @p2 $0x1082  }
0x22: {  	[simem:s7], [sflag:s8] =	dma.local @!p0 [hbm:s6], $0xF7A  }
0x23: {  	s9 =	sor.u32 $0xD0000000, s2;
	s6 =	simm.s32 $0x108;
	_ =	swait.ge @!p0 [sflag:s8], $0x0  }
0x24: {  	s3 =	sadd.s32 $0x88, s3;
	s6 =	simm.s32 @!p1 $0x1082;
	[sflag:s4] =	ssyncset.s32 $0xFFFFF086  }
0x25: {  	[simem:s6], [sflag:s4] =	dma.local [hbm:s3], $0xF7A  }
0x26: {  	[smem:$0x3F9B] =	sst s1;
	(tag) =	ssettag s2;
	_ =	strace s9  }
0x27: {  	s1 =	sld [smem:$0x3FAB]  }
0x28: {  	s2 =	sld [smem:$0x3FAC]  }
0x29: {  	s4 =	sld [smem:$0x3FAE]  }
0x2a: {  	p0 =	seq.s32 s5, $0x0;
	s5 =	sld [smem:$0x3FAF]  }
0x2b: {  	s6 =	sld [smem:$0x3FB0]  }
0x2c: {  	s7 =	sld [smem:$0x3FB1]  }
0x2d: {  	s3 =	simm.s32 $0x108;
	s8 =	sld [smem:$0x3FB2]  }
0x2e: {  	s3 =	simm.s32 @!p0 $0x1082;
	s9 =	sld [smem:$0x3FB3]  }
0x2f: {  	lr =	sadd.s32 s0, s3;
	s0 =	sld [smem:$0x3FAA]  }
0x30: {  	s3 =	sld [smem:$0x3FAD]  }
0x31: {  	[smem:$0x3FB6] =	sst s10  }
0x32: {  	s10 =	sld [smem:$0x3FB4];
	_ =	sdelay $0x3  }
0x33: {  	p0 =	seq.s32 s10, $0x1;
	s10 =	sld [smem:$0x3FB6];
	_ =	sdelay $0x3  }
0x34: {  	[smem:$0x3FB6] =	sst s10  }
0x35: {  	s10 =	sld [smem:$0x3FB5];
	_ =	sdelay $0x3  }
0x36: {  	p1 =	seq.s32 s10, $0x1;
	s10 =	sld [smem:$0x3FB6];
	_ =	sdelay $0x3  }
0x37: {  	[smem:$0x3FB6] =	sst s10  }
0x38: {  	s10 =	sld [smem:$0x3FB7]  }
0x39: {  	_ = 	snop;
	(pc) =	sbr.ind lr, $3  }
0x3a: {  	_ = 	snop  }
0x3b: {  	_ = 	snop  }
0x3c: {  	p2 =	seq.s32 s10, $0x1;
	s10 =	sld [smem:$0x3FB6]  }
0x3d: {  	_ =	shalt  }
0x3e: {  	_ =	shalt  }
0x3f: {  	_ =	shalt  }
0x40: {  	_ =	shalt  }
0x41: {  	_ =	shalt  }
0x42: {  	_ =	shalt  }
0x43: {  	_ =	shalt  }
0x44: {  	_ =	shalt  }
0x45: {  	_ =	shalt  }
0x46: {  	_ =	shalt  }
0x47: {  	_ =	shalt  }
0x48: {  	_ =	shalt  }
0x49: {  	_ =	shalt  }
0x4a: {  	_ =	shalt  }
0x4b: {  	_ =	shalt  }
0x4c: {  	_ =	shalt  }
0x4d: {  	_ =	shalt  }
0x4e: {  	_ =	shalt  }
0x4f: {  	_ =	shalt  }
0x50: {  	_ =	shalt  }
0x51: {  	_ =	shalt  }
0x52: {  	_ =	shalt  }
0x53: {  	_ =	shalt  }
0x54: {  	_ =	shalt  }
0x55: {  	_ =	shalt  }
0x56: {  	_ =	shalt  }
0x57: {  	_ =	shalt  }
0x58: {  	_ =	shalt  }
0x59: {  	_ =	shalt  }
0x5a: {  	_ =	shalt  }
0x5b: {  	_ =	shalt  }
0x5c: {  	_ =	shalt  }
0x5d: {  	_ =	shalt  }
0x5e: {  	_ =	shalt  }
0x5f: {  	_ =	shalt  }
0x60: {  	_ =	shalt  }
0x61: {  	_ =	shalt  }
0x62: {  	_ =	shalt  }
0x63: {  	_ =	shalt  }
0x64: {  	_ =	shalt  }
0x65: {  	_ =	shalt  }
0x66: {  	_ =	shalt  }
0x67: {  	_ =	shalt  }
0x68: {  	_ =	shalt  }
0x69: {  	_ =	shalt  }
0x6a: {  	_ =	shalt  }
0x6b: {  	_ =	shalt  }
0x6c: {  	_ =	shalt  }
0x6d: {  	_ =	shalt  }
0x6e: {  	_ =	shalt  }
0x6f: {  	_ =	shalt  }
0x70: {  	_ =	shalt  }
0x71: {  	_ =	shalt  }
0x72: {  	_ =	shalt  }
0x73: {  	_ =	shalt  }
0x74: {  	_ =	shalt  }
0x75: {  	_ =	shalt  }
0x76: {  	_ =	shalt  }
0x77: {  	_ =	shalt  }
0x78: {  	_ =	shalt  }
0x79: {  	_ =	shalt  }
0x7a: {  	_ =	shalt  }
0x7b: {  	_ =	shalt  }
0x7c: {  	_ =	shalt  }
0x7d: {  	_ =	shalt  }
0x7e: {  	_ =	shalt  }
0x7f: {  	_ =	shalt  }
0x80: {  	_ =	shalt  }
0x81: {  	_ =	shalt  }
0x82: {  	_ =	shalt  }
0x83: {  	_ =	shalt  }
0x84: {  	_ =	shalt  }
0x85: {  	_ =	shalt  }
0x86: {  	_ =	shalt  }
0x87: {  	_ =	shalt  }
.Lfunc_end0:
.L_simem_size_0:
called_computation_lowered:
.L_overlay_start_0:
0x88: {  	s0 =	sld [smem:$0x3FD9]  }
0x89: {  	s1 =	sld [smem:$0x3FFE];
	_ =	sdelay $0x3  }
0x8a: {  	s0 =	sadd.s32 s1, s0  }
0x8b: {  	[smem:$0x3FC2] =	sst s0  }
0x8c: {  	_ = 	snop  }
0x8d: {  	s0 =	sld [smem:$0x3FD0];
	(tm) =	ssettm $0x1  }
0x8e: {  	s16 =	sld [smem:$0x3FFB];
	_ =	sdelay $0x3  }
0x8f: {  	_ =	strace s16  }
0x90: {  	s1 =	sld [smem:$0x3FFC];
	_ =	sdelay $0x3  }
0x91: {  	_ =	strace s1  }
0x92: {  	s1 =	sld [smem:$0x3FFD];
	_ =	sdelay $0x3  }
0x93: {  	_ =	strace s1  }
0x94: {  	_ =	strace $0x8FFFFFFF  }
0x95: {  	s17 =	sld [smem:$0x3FDB];
	_ =	sdelay $0x1  }
0x96: {  	s2 =	simm.s32 $_scs_section_size  }
0x97: {  	s3 =	simm.s32 $_size__tile_overlayer_lowered;
	s4 =	simm.s32 $_tile_overlayer_lowered  }
0x98: {  	s20 =	simm.s32 $0x1BFF;
	s19 =	sshll.u32 s4, $0x1;
	s1 =	sadd.s32 s2, s17  }
0x99: {  	s5 =	simm.s32 $0x0;
	s18 =	sshll.u32 s3, $0x1;
	s3 =	sadd.s32 s19, s1  }
0x9a: {  	[timem:s5], [sflag:s20] =	dma.local [hbm:s3], s18  }
0x9b: {  	_ =	swait.ge [sflag:s20], s18  }
0x9c: {  	s2 =	ssub.s32 $0x0, s18;
	[sflag:s20] =	ssyncset.done $0x0  }
0x9d: {  	[sflag:s20] =	ssyncadd.s32 s2;
	_ =	sdelay $0x1  }
0x9e: {  	s21 =	simm.s32 $0x1B8B  }
0x9f: {  	_ =	swait.ge [sflag:s21], $0x1  }
0xa0: {  	[sflag:s21] =	ssyncset.done $0x0  }
0xa1: {  	s23 =	simm.s32 $0x1B8E;
	s22 =	sld [smem:$0x3FFE];
	[sflag:s21] =	ssyncadd.s32 $0xFFFFFFFF  }
0xa2: {  	s24 =	simm.s32 $execute0_lowered;
	[smem:$0x3FD2] =	sst s23  }
0xa3: {  	s3 =	sshll.u32 s24, $0x1;
	_ =	strace $0x80000046;
	[dreg:$0x1] =	wrdreg $0xFFFFFFFF  }
0xa4: {  	s25 =	simm.s32 $_size_execute0_lowered;
	s1 =	sadd.s32 s1, s3;
	[dreg:$0x0] =	wrdreg $0x0  }
0xa5: {  	s3 =	sshll.u32 s25, $0x1;
	[dreg:$0x2] =	wrdreg s1  }
0xa6: {  	[dreg:$0x3] =	wrdreg s3  }
0xa7: {  	[dreg:$0x4] =	wrdreg $0xC0  }
0xa8: {  	_ =	task [dreg:s5], $0x5FFFF  }
0xa9: {  	[dreg:$0x1] =	wrdreg $0xFFFFFFFF  }
0xaa: {  	[dreg:$0x0] =	wrdreg $0x60  }
0xab: {  	[dreg:$0x2] =	wrdreg s22  }
0xac: {  	[dreg:$0x3] =	wrdreg s0  }
0xad: {  	[dreg:$0x4] =	wrdreg $0x9  }
0xae: {  	_ =	task.clear_ibuf [dreg:s5], $0x5FFFF;
	_ =	strace $0x90000046  }
0xaf: {  	s26 =	simm.s32 $0x9;
	_ =	strace $0x80000048  }
0xb0: {  	_ =	swait.ge [sflag:s26], $0x1  }
0xb1: {  	[sflag:s26] =	ssyncadd.s32 $0xFFFFFFFF  }
0xb2: {  	_ =	strace $0x90000048  }
0xb3: {  	_ =	sfence  }
0xb4: {  	s28 =	sld [smem:$0x0];
	_ =	sdelay $0x1  }
0xb5: {  	s29 =	srdreg.scid  }
0xb6: {  	s30 =	sshll.u32 s29, $0xD;
	s31 =	sshrl.u32 s29, $0x2  }
0xb7: {  	s2 =	sand.u32 $0x4000, s30;
	s1 =	sand.u32 $0x1, s29;
	s0 =	sadd.s32 s31, s28  }
0xb8: {  	s1 =	sor.u32 s2, s1;
	s0 =	sshll.u32 s0, $0x11  }
0xb9: {  	s0 =	sor.u32 s0, s1  }
0xba: {  	s0 =	sadd.s32 $0x8F2B, s0  }
0xbb: {  	[sflag:s0] =	ssyncadd.remote.s32 $0x1  }
0xbc: {  	_ =	sfence.sel $0xFFFF  }
0xbd: {  	[dreg:$0x0] =	wrdreg $0xFFFFFFFF;
	(pc) =	sbr.abs _section_cstart, $3  }
0xbe: {  	[dreg:$0x1] =	wrdreg $0xFFFFFFFF  }
0xbf: {  	_ =	task.clear_ibuf [dreg:s5], $0x2FFFF;
	_ =	strace $0x9FFFFFFF  }
0xc0: {  	(tm) =	ssettm $0x7FFFFFFF  }
0xc1: {  	_ =	shalt  }
tec
execute0_lowered:
.L_overlay_start_1:
0x0: {  	(tag) =	ssettag $0x1  }
0x1: {  	s4 =	rddreg [dreg:$0x0]  }
0x2: {  	s2 =	rddreg [dreg:$0x1];
	s1 =	stileid.u32  }
0x3: {  	s0 =	rddreg [dreg:$0x2];
	s3 =	simm.s32 $0x0;
	s5 =	sshll.u32 s1, $0x4  }
0x4: {  	[smem:$0x7FF] =	sst s3;
	s4 =	sadd.s32 s5, s4  }
0x5: {  	s19 =	simm.s32 $0x2;
	_ =	strace $0x80000047;
	s4 =	sadd.s32 $0x200, s4  }
0x6: {  	[tilespmem:s3], [sflag:$0x2] =	stream.linear.gather [hbm4b:s4+s3], $0x80, $0x38;
	[tilespmem:$0x280] =	vst v63  }
0x7: {  	_ =	swait.ge [sflag:s19], $0x80  }
0x8: {  	[sflag:s19] =	ssyncset.done $0x0  }
0x9: {  	v0 =	vimm.s32 $0x800;
	[sflag:s19] =	ssyncadd.s32 $0xFFFFFF80  }
0xa: {  	[tilespmem:$0x100] =	vst v0  }
0xb: {  	[tilespmem:$0x110] =	vst v0  }
0xc: {  	[tilespmem:$0x120] =	vst v0  }
0xd: {  	[tilespmem:$0x130] =	vst v0  }
0xe: {  	[tilespmem:$0x140] =	vst v0  }
0xf: {  	[tilespmem:$0x150] =	vst v0  }
0x10: {  	[tilespmem:$0x160] =	vst v0  }
0x11: {  	[tilespmem:$0x170] =	vst v0  }
0x12: {  	[tilespmem:$0x180] =	vst v0  }
0x13: {  	[tilespmem:$0x190] =	vst v0  }
0x14: {  	[tilespmem:$0x1A0] =	vst v0  }
0x15: {  	[tilespmem:$0x1B0] =	vst v0  }
0x16: {  	[tilespmem:$0x1C0] =	vst v0  }
0x17: {  	[tilespmem:$0x1D0] =	vst v0  }
0x18: {  	[tilespmem:$0x1E0] =	vst v0  }
0x19: {  	s20 =	smul.u32 $0x24, s1;
	[tilespmem:$0x1F0] =	vst v0  }
0x1a: {  	[tilespmem:$0x200] =	vst v0  }
0x1b: {  	s6 =	simm.s32 $0x100;
	s5 =	sadd.s32 s2, s20;
	[tilespmem:$0x210] =	vst v0  }
0x1c: {  	[hbm4b:s5+s3] =	stream.linear.scatter [tilespmem:s6], [sflag:$0x2], $0x120, $0x38;
	[tilespmem:$0x280] =	vst v63  }
0x1d: {  	_ =	swait.ge [sflag:s19], $0x120  }
0x1e: {  	v58 =	vlaneseq.u32;
	s21 =	sshll.u32 s1, $0x7;
	[sflag:s19] =	ssyncset.done $0x0  }
0x1f: {  	v1 =	vor.u32 s21, v58;
	s22 =	sor.u32 $0x10, s21;
	[sflag:s19] =	ssyncadd.s32 $0xFFFFFEE0  }
0x20: {  	s23 =	sor.u32 $0x20, s21;
	v2 =	vor.u32 s22, v58;
	[tilespmem:$0x80] =	vst v1  }
0x21: {  	s24 =	sor.u32 $0x30, s21;
	v59 =	vor.u32 s23, v58;
	[tilespmem:$0x90] =	vst v2  }
0x22: {  	s25 =	sor.u32 $0x40, s21;
	v60 =	vor.u32 s24, v58;
	[tilespmem:$0xA0] =	vst v59  }
0x23: {  	s26 =	sor.u32 $0x50, s21;
	v61 =	vor.u32 s25, v58;
	[tilespmem:$0xB0] =	vst v60  }
0x24: {  	s28 =	sor.u32 $0x60, s21;
	v62 =	vor.u32 s26, v58;
	[tilespmem:$0xC0] =	vst v61  }
0x25: {  	s29 =	sor.u32 $0x70, s21;
	v63 =	vor.u32 s28, v58;
	[tilespmem:$0xD0] =	vst v62  }
0x26: {  	v0 =	vor.u32 s29, v58;
	[tilespmem:$0xE0] =	vst v63  }
0x27: {  	[tilespmem:$0xF0] =	vst v0  }
0x28: {  	s30 =	simm.s32 $0x80;
	s31 =	simm.s32 $0x1;
	[bflag:$0x0] =	sbarrier.arrive $0xFFFF  }
0x29: {  	[hbm4b:s2+s30] =	stream.indirect.scatter [tilespmem:s30], [sflag:$0x1], $0x1, s3, s30, $0xb8;
	[tilespmem:$0x280] =	vst v63  }
0x2a: {  	_ =	swait.ge [sflag:s31], $0x80  }
0x2b: {  	[sflag:s31] =	ssyncset.done $0x0  }
0x2c: {  	[sflag:s31] =	ssyncadd.s32 $0xFFFFFF80  }
0x2d: {  	_ =	sfence.sel $0x180000  }
0x2e: {  	[bflag:$0x0] =	sbarrier.arrive $0xFFFF  }
0x2f: {  	p0 =	sne.s32 s1, $0x0;
	_ =	strace $0x90000047  }
0x30: {  	s0 =	sadd.s32 @!p0 $0x100000, s0;
	[bflag:$0x2] =	sbarrier.arrive $0xFFFF  }
0x31: {  	[sflag:s0] =	ssyncadd.tile.s32 @!p0 $0x1;
	_ =	shalt  }
.Lfunc_end2:
_tile_overlayer_lowered:
.L_overlay_start_2:
0x32: {  	(tag) =	ssettag $0x2  }
0x33: {  	s0 =	rddreg [dreg:$0x0];
	s2 =	stileid.u32  }
0x34: {  	s1 =	rddreg [dreg:$0x1];
	p0 =	sne.s32 s2, $0x0  }
0x35: {  	s3 =	rddreg [dreg:$0x2];
	[bflag:$0x3] =	sbarrier.arrive $0xFFFF;
	s2 =	simm.s32 @!p0 $0x1C02  }
0x36: {  	[timem:s3], [sflag:s2] =	dma.local @!p0 [hbm:s0], s1  }
0x37: {  	s0 =	simm.s32 @!p0 $0x2  }
0x38: {  	_ =	swait.ge @!p0 [sflag:s0], s1  }
0x39: {  	s1 =	ssub.s32 @!p0 $0x0, s1;
	[sflag:s0] =	ssyncset.done @!p0 $0x0  }
0x3a: {  	[sflag:s0] =	ssyncadd.s32 @!p0 s1  }
0x3b: {  	[bflag:$0x3] =	sbarrier.arrive $0xFFFF  }
0x3c: {  	_ =	shalt  }

</sc_bundles>
